<compile_context>
chip_gen: v7x
topology: tpu7x:2x2x1
jax: 0.10.2.dev20260603
libtpu: 0.0.44.dev20260713+nightly
codegen_flags: <defaults>
</compile_context>

<pallas_src>
import functools
import math

import jax
import jax.numpy as jnp
from jax import lax
from jax.experimental import pallas as pl
from jax.experimental.pallas import tpu as pltpu
from jax.experimental.pallas import tpu_sc as plsc

B, T, C = 2, 2048, 768
NH = 12
HD = C // NH
E = 64
NT = B * T
CAP = int(math.floor(1.25 * NT / E))
CAP += CAP % 2
CAP = max(CAP, 4)
TRASH = E * CAP
DISP_ROWS = E * CAP + 64

TOK_BLK = 512
N_TOK_BLK = NT // TOK_BLK

NW = 32
CHUNK = NT // NW

_BF = jnp.bfloat16
_F32 = jnp.float32


def _qkv_body(x_ref, g_ref, w_ref, o_ref):
    x = x_ref[...]
    h = x * lax.rsqrt(jnp.mean(x * x, axis=-1, keepdims=True) + 1e-6) * g_ref[...]
    o_ref[...] = jnp.dot(h.astype(_BF), w_ref[...].astype(_BF),
                         preferred_element_type=_F32)


def _qkv(x2d, g1, w_qkv):
    return pl.pallas_call(
        _qkv_body,
        grid=(N_TOK_BLK,),
        in_specs=[
            pl.BlockSpec((TOK_BLK, C), lambda i: (i, 0)),
            pl.BlockSpec((1, C), lambda i: (0, 0)),
            pl.BlockSpec((C, 3 * C), lambda i: (0, 0)),
        ],
        out_specs=pl.BlockSpec((TOK_BLK, 3 * C), lambda i: (i, 0)),
        out_shape=jax.ShapeDtypeStruct((NT, 3 * C), _F32),
    )(x2d, g1, w_qkv)


_Q_BLK = 1024
_K_CHUNK = 512


def _attn_body(q_ref, k_ref, v_ref, o_ref):
    outs = []
    for h in range(2):
        sl = slice(h * HD, (h + 1) * HD)
        q = q_ref[:, sl].astype(_BF)
        k = k_ref[:, sl].astype(_BF)
        s = lax.dot_general(q, k, (((1,), (1,)), ((), ())),
                            preferred_element_type=_F32)
        s = s * (1.0 / math.sqrt(HD))
        m = jnp.max(s, axis=-1, keepdims=True)
        p = jnp.exp(s - m)
        p = p / jnp.sum(p, axis=-1, keepdims=True)
        pb = p.astype(_BF)
        acc = jnp.zeros((_Q_BLK, HD), _F32)
        for c in range(T // _K_CHUNK):
            acc = acc + jnp.dot(
                pb[:, c * _K_CHUNK:(c + 1) * _K_CHUNK],
                v_ref[c * _K_CHUNK:(c + 1) * _K_CHUNK, sl].astype(_BF),
                preferred_element_type=_F32)
        outs.append(acc)
    o_ref[...] = jnp.concatenate(outs, axis=1)


def _attention(qkv):
    tb = T // _Q_BLK
    return pl.pallas_call(
        _attn_body,
        grid=(B, NH // 2, tb),
        in_specs=[
            pl.BlockSpec((_Q_BLK, 2 * HD), lambda b, j, i: (b * tb + i, j)),
            pl.BlockSpec((T, 2 * HD), lambda b, j, i: (b, NH // 2 + j)),
            pl.BlockSpec((T, 2 * HD), lambda b, j, i: (b, NH + j)),
        ],
        out_specs=pl.BlockSpec((_Q_BLK, 2 * HD), lambda b, j, i: (b * tb + i, j)),
        out_shape=jax.ShapeDtypeStruct((NT, C), _F32),
    )(qkv, qkv, qkv)


def _route_body(attn_ref, x_ref, wp_ref, g2_ref, wg_ref,
                x2_ref, dst_ref, dstc_ref, keep_ref, counts_ref):
    i = pl.program_id(0)
    proj = jnp.dot(attn_ref[...].astype(_BF), wp_ref[...].astype(_BF),
                   preferred_element_type=_F32)
    x2 = x_ref[...] + proj
    x2_ref[...] = x2
    h2 = x2 * lax.rsqrt(jnp.mean(x2 * x2, axis=-1, keepdims=True) + 1e-6) * g2_ref[...]
    logits = jnp.dot(h2.astype(_BF), wg_ref[...].astype(_BF),
                     preferred_element_type=_F32)

    mx = jnp.max(logits, axis=-1, keepdims=True)
    lane = lax.broadcasted_iota(jnp.int32, (TOK_BLK, E), 1)
    e_col = jnp.min(jnp.where(logits >= mx, lane, E), axis=-1, keepdims=True)
    m = (lane == e_col).astype(_F32)

    r = lax.broadcasted_iota(jnp.int32, (TOK_BLK, TOK_BLK), 0)
    c = lax.broadcasted_iota(jnp.int32, (TOK_BLK, TOK_BLK), 1)
    tril = (c < r).astype(_F32)
    prev = jnp.dot(tril, m, preferred_element_type=_F32)

    @pl.when(i == 0)
    def _():
        counts_ref[...] = jnp.zeros_like(counts_ref)

    rank_mat = prev + counts_ref[...]
    rank = jnp.sum(rank_mat * m, axis=-1, keepdims=True).astype(jnp.int32)
    counts_ref[...] += jnp.sum(m, axis=0, keepdims=True)

    keep = rank < CAP
    slot = e_col * CAP + rank
    dst_ref[...] = jnp.where(keep, slot, TRASH).reshape(TOK_BLK)
    dstc_ref[...] = jnp.where(keep, slot, 0).reshape(TOK_BLK)
    keep_ref[...] = keep.astype(_F32)


def _proj_route(attn2d, x2d, w_proj, g2, w_g):
    return pl.pallas_call(
        _route_body,
        grid=(N_TOK_BLK,),
        in_specs=[
            pl.BlockSpec((TOK_BLK, C), lambda i: (i, 0)),
            pl.BlockSpec((TOK_BLK, C), lambda i: (i, 0)),
            pl.BlockSpec((C, C), lambda i: (0, 0)),
            pl.BlockSpec((1, C), lambda i: (0, 0)),
            pl.BlockSpec((C, E), lambda i: (0, 0)),
        ],
        out_specs=[
            pl.BlockSpec((TOK_BLK, C), lambda i: (i, 0)),
            pl.BlockSpec((TOK_BLK,), lambda i: (i,)),
            pl.BlockSpec((TOK_BLK,), lambda i: (i,)),
            pl.BlockSpec((TOK_BLK, 1), lambda i: (i, 0)),
        ],
        out_shape=[
            jax.ShapeDtypeStruct((NT, C), _F32),
            jax.ShapeDtypeStruct((NT,), jnp.int32),
            jax.ShapeDtypeStruct((NT,), jnp.int32),
            jax.ShapeDtypeStruct((NT, 1), _F32),
        ],
        scratch_shapes=[pltpu.VMEM((1, E), _F32)],
    )(attn2d, x2d, w_proj, g2, w_g)


@functools.lru_cache(maxsize=1)
def _sc_mesh():
    return plsc.VectorSubcoreMesh(core_axis_name="c", subcore_axis_name="s")


@jax.jit
def _sc_dispatch(x2d, dst):
    @functools.partial(
        pl.kernel,
        mesh=_sc_mesh(),
        out_type=jax.ShapeDtypeStruct((DISP_ROWS, C), _F32),
        scratch_types=[
            pltpu.VMEM((CHUNK,), jnp.int32),
            pltpu.VMEM((CHUNK, C), _F32),
            pltpu.SemaphoreType.DMA,
        ],
    )
    def k(x_hbm, dst_hbm, out_hbm, idx_v, rows_v, sem):
        wid = lax.axis_index("s") * 2 + lax.axis_index("c")
        base = wid * CHUNK
        pltpu.sync_copy(dst_hbm.at[pl.ds(base, CHUNK)], idx_v)
        pltpu.sync_copy(x_hbm.at[pl.ds(base, CHUNK)], rows_v)
        pltpu.async_copy(rows_v, out_hbm.at[idx_v], sem).wait()

    return k(x2d, dst)


_H_BLK = 1536


def _ffn_body(xb_ref, cfc_ref, cpj_ref, o_ref):
    xb = xb_ref[...].astype(_BF)
    h = jnp.dot(xb, cfc_ref[0].astype(_BF), preferred_element_type=_F32)
    h = 0.5 * h * (1.0 + lax.erf(h * (1.0 / math.sqrt(2.0))))
    o_ref[...] = jnp.dot(h.astype(_BF), cpj_ref[0].astype(_BF),
                         preferred_element_type=_F32)


def _expert_ffn(disp, c_fc, c_proj):
    return pl.pallas_call(
        _ffn_body,
        grid=(E,),
        in_specs=[
            pl.BlockSpec((CAP, C), lambda e: (e, 0)),
            pl.BlockSpec((1, C, 4 * C), lambda e: (e, 0, 0)),
            pl.BlockSpec((1, 4 * C, C), lambda e: (e, 0, 0)),
        ],
        out_specs=pl.BlockSpec((CAP, C), lambda e: (e, 0)),
        out_shape=jax.ShapeDtypeStruct((E * CAP, C), _F32),
    )(disp, c_fc, c_proj)


@jax.jit
def _sc_combine(eo, dstc):
    @functools.partial(
        pl.kernel,
        mesh=_sc_mesh(),
        out_type=jax.ShapeDtypeStruct((NT, C), _F32),
        scratch_types=[
            pltpu.VMEM((CHUNK,), jnp.int32),
            pltpu.VMEM((CHUNK, C), _F32),
            pltpu.SemaphoreType.DMA,
        ],
    )
    def k(eo_hbm, dstc_hbm, out_hbm, idx_v, rows_v, sem):
        wid = lax.axis_index("s") * 2 + lax.axis_index("c")
        base = wid * CHUNK
        pltpu.sync_copy(dstc_hbm.at[pl.ds(base, CHUNK)], idx_v)
        pltpu.async_copy(eo_hbm.at[idx_v], rows_v, sem).wait()
        pltpu.sync_copy(rows_v, out_hbm.at[pl.ds(base, CHUNK)])

    return k(eo, dstc)


def _final_body(x2_ref, y_ref, keep_ref, o_ref):
    o_ref[...] = x2_ref[...] + jnp.where(keep_ref[...] > 0.5, y_ref[...], 0.0)


def _final(x2d, y, keep):
    return pl.pallas_call(
        _final_body,
        grid=(N_TOK_BLK,),
        in_specs=[
            pl.BlockSpec((TOK_BLK, C), lambda i: (i, 0)),
            pl.BlockSpec((TOK_BLK, C), lambda i: (i, 0)),
            pl.BlockSpec((TOK_BLK, 1), lambda i: (i, 0)),
        ],
        out_specs=pl.BlockSpec((TOK_BLK, C), lambda i: (i, 0)),
        out_shape=jax.ShapeDtypeStruct((NT, C), _F32),
    )(x2d, y, keep)


def kernel(x, g1, g2, w_qkv, w_proj, w_g, c_fc, c_proj):
    x2d = x.reshape(NT, C)
    g1r = g1.reshape(1, C)
    g2r = g2.reshape(1, C)

    qkv = _qkv(x2d, g1r, w_qkv)
    attn2d = _attention(qkv)

    x2, dst, dstc, keep = _proj_route(attn2d, x2d, w_proj, g2r, w_g)

    disp = _sc_dispatch(x2, dst)
    eo = _expert_ffn(disp, c_fc, c_proj)
    y = _sc_combine(eo, dstc)

    out = _final(x2, y, keep)
    return out.reshape(B, T, C)

# --- scband reference (transcript-rebuilt; emitter-appended) ---
"""Pipeline reference for scband-block-27384711479456 (READ-ONLY COPY).

The authoritative reference and input builder live on the scoring server;
editing this copy changes nothing except your own understanding.
"""

import jax, jax.numpy as jnp
import numpy as np
import math

B, T, C = 2, 2048, 768
NH = 12
HD = C // NH
E = 64
TOPK = 1
CAP_FACTOR = 1.25
MIN_CAP = 4


def setup_inputs(seed: int = 0):
    key = jax.random.key(seed)
    ks = jax.random.split(key, 8)
    return {
        "x": jax.random.normal(ks[0], (B, T, C), dtype=jnp.float32),
        "g1": jnp.ones((C,), jnp.float32),
        "g2": jnp.ones((C,), jnp.float32),
        "w_qkv": jax.random.normal(ks[1], (C, 3 * C), dtype=jnp.float32) * 0.02,
        "w_proj": jax.random.normal(ks[2], (C, C), dtype=jnp.float32) * 0.02,
        "w_g": jax.random.normal(ks[3], (C, E), dtype=jnp.float32) * 0.02,
        "c_fc": jax.random.normal(ks[4], (E, C, 4 * C), dtype=jnp.float32) * 0.02,
        "c_proj": jax.random.normal(ks[5], (E, 4 * C, C), dtype=jnp.float32) * 0.02,
    }


def _rmsnorm(x, g):
    return x * jax.lax.rsqrt(jnp.mean(x * x, axis=-1, keepdims=True) + 1e-6) * g


def _block(x, g1, g2, w_qkv, w_proj, w_g, c_fc, c_proj):
    # --- CausalSelfAttention (flash path: attn_mask=None in the source) ---
    h = _rmsnorm(x, g1)
    qkv = h @ w_qkv  # [B, T, 3C]
    q, k, v = jnp.split(qkv, 3, axis=-1)
    q = q.reshape(B, T, NH, HD).transpose(0, 2, 1, 3)
    k = k.reshape(B, T, NH, HD).transpose(0, 2, 1, 3)
    v = v.reshape(B, T, NH, HD).transpose(0, 2, 1, 3)
    att = jnp.matmul(q, k.transpose(0, 1, 3, 2)) / math.sqrt(HD)
    att = jax.nn.softmax(att, axis=-1)
    out = jnp.matmul(att, v)
    out = out.transpose(0, 2, 1, 3).reshape(B, T, C) @ w_proj
    x = x + out

    # --- MOELayer: Router (switch-style capacity dispatch) + MLPExperts ---
    h = _rmsnorm(x, g2)
    logits = h @ w_g  # [B, T, E]
    top_logits, top_idx = jax.lax.top_k(logits, TOPK)
    mask_full = jax.nn.one_hot(top_idx, E, dtype=logits.dtype).sum(axis=-2)  # [B,T,E]
    router_probs = jax.nn.softmax(jnp.where(mask_full > 0, logits, -jnp.inf), axis=-1)

    num_tokens = B * T
    capacity = int(math.floor(TOPK * CAP_FACTOR * num_tokens / E))
    capacity += capacity % 2
    capacity = max(capacity, MIN_CAP)

    exp_mask = jax.nn.one_hot(top_idx, E, dtype=jnp.int32)  # [B,T,TOPK,E]
    exp_mask = exp_mask.reshape(num_tokens, TOPK, E).transpose(1, 0, 2)  # [TOPK,nt,E]
    exp_rank = jnp.cumsum(exp_mask.reshape(TOPK * num_tokens, E), axis=0) - 1
    exp_rank = exp_rank.reshape(TOPK, num_tokens, E)
    exp_mask = exp_mask * (exp_rank < capacity).astype(jnp.int32)
    used_capacity = jnp.sum(exp_mask, axis=(0, 1))
    exp_rank = jnp.sum(exp_mask * exp_rank, axis=-1)  # [TOPK, nt]

    rp = router_probs.reshape(num_tokens, E)[None, :, :]  # [1,nt,E]
    exp_weights = exp_mask.astype(x.dtype) * rp  # [TOPK,nt,E]
    exp_rank_sc = jax.nn.one_hot(exp_rank, capacity, dtype=x.dtype)  # [TOPK,nt,cap]
    cb_weight = jnp.sum(exp_weights[:, :, :, None] * exp_rank_sc[:, :, None, :], axis=0)  # [nt,E,cap]
    sec_mask = (cb_weight != 0).astype(x.dtype)

    x_flat = x.reshape(num_tokens, C)
    exp_batches = jnp.einsum('tec,td->ecd', sec_mask, x_flat)  # [E,cap,C]
    hh = jax.nn.gelu(jnp.matmul(exp_batches, c_fc), approximate=False)  # [E,cap,4C]
    exp_out = jnp.matmul(hh, c_proj)  # [E,cap,C]

    moe_out = cb_weight.reshape(num_tokens, E * capacity) @ exp_out.reshape(E * capacity, C)
    x = x + moe_out.reshape(B, T, C)
    return x


def reference(x, g1, g2, w_qkv, w_proj, w_g, c_fc, c_proj):
    return _block(x, g1, g2, w_qkv, w_proj, w_g, c_fc, c_proj)

if __name__ == "__main__":
    import jax
    _d = setup_inputs()
    print(jax.jit(kernel)(*tuple(_d.values())))

</pallas_src>

<mosaic_0001>
#map = affine_map<(d0, d1) -> (0, 0)>
#map1 = affine_map<(d0, d1) -> (0)>
module attributes {stable_mosaic.version = 14 : i64} {
  func.func @k(%arg0: i32, %arg1: i32, %arg2: memref<4096x768xf32, #tpu.memory_space<hbm>>, %arg3: memref<4096xi32, #tpu.memory_space<hbm>>, %arg4: memref<5184x768xf32, #tpu.memory_space<hbm>>, %arg5: memref<128xi32, #tpu.memory_space<vmem>>, %arg6: memref<128x768xf32, #tpu.memory_space<vmem>>, %arg7: memref<!tpu.dma_semaphore, #tpu.memory_space<semaphore_mem>>) attributes {dimension_semantics = [#tpu.dimension_semantics<core_parallel>, #tpu.dimension_semantics<subcore_parallel>], iteration_bounds = array<i64: 2, 16>, scalar_prefetch = 0 : i64, scratch_operands = 3 : i64, tpu.core_type = #tpu.core_type<sc_vector_subcore>, window_params = [{transform_indices = #map}, {transform_indices = #map1}, {transform_indices = #map}]} {
    %mul3A = arith.constant 2 : i32
    %mul3A_0 = arith.muli %arg1, %mul3A : i32
    %add3A = arith.addi %mul3A_0, %arg0 : i32
    %mul3A_1 = arith.constant 128 : i32
    %mul3A_2 = arith.muli %add3A, %mul3A_1 : i32
    "tpu.region"() ({
      %run_scoped3A = tpu.sem_alloc : memref<!tpu.dma_semaphore, #tpu.memory_space<semaphore_mem>>
      %dma_start3A_7 = tpu.memref_slice %arg3[%mul3A_2] : memref<4096xi32, #tpu.memory_space<hbm>> -> memref<128xi32, #tpu.memory_space<hbm>>
      %dma_start3A_8 = tpu.memref_slice %arg3[%mul3A_2] : memref<4096xi32, #tpu.memory_space<hbm>> -> memref<128xi32, #tpu.memory_space<hbm>>
      tpu.enqueue_dma source(%dma_start3A_8 : memref<128xi32, #tpu.memory_space<hbm>>) target(%arg5 : memref<128xi32, #tpu.memory_space<vmem>>) target_semaphore(%run_scoped3A : memref<!tpu.dma_semaphore, #tpu.memory_space<semaphore_mem>>)
      %dma_wait3A_9 = tpu.memref_slice %arg3[%mul3A_2] : memref<4096xi32, #tpu.memory_space<hbm>> -> memref<128xi32, #tpu.memory_space<hbm>>
      %dma_wait3A_10 = tpu.memref_slice %arg3[%mul3A_2] : memref<4096xi32, #tpu.memory_space<hbm>> -> memref<128xi32, #tpu.memory_space<hbm>>
      tpu.wait_dma2 semaphore(%run_scoped3A : memref<!tpu.dma_semaphore, #tpu.memory_space<semaphore_mem>>) src(%dma_wait3A_10 : memref<128xi32, #tpu.memory_space<hbm>>) dst(%arg5 : memref<128xi32, #tpu.memory_space<vmem>>)
      tpu.yield
    }) : () -> ()
    "tpu.region"() ({
      %run_scoped3A = tpu.sem_alloc : memref<!tpu.dma_semaphore, #tpu.memory_space<semaphore_mem>>
      %dma_start3A_7 = arith.constant 0 : i32
      %dma_start3A_8 = tpu.memref_slice %arg2[%mul3A_2, %dma_start3A_7] : memref<4096x768xf32, #tpu.memory_space<hbm>> -> memref<128x768xf32, #tpu.memory_space<hbm>>
      %dma_start3A_9 = arith.constant 0 : i32
      %dma_start3A_10 = tpu.memref_slice %arg2[%mul3A_2, %dma_start3A_9] : memref<4096x768xf32, #tpu.memory_space<hbm>> -> memref<128x768xf32, #tpu.memory_space<hbm>>
      tpu.enqueue_dma source(%dma_start3A_10 : memref<128x768xf32, #tpu.memory_space<hbm>>) target(%arg6 : memref<128x768xf32, #tpu.memory_space<vmem>>) target_semaphore(%run_scoped3A : memref<!tpu.dma_semaphore, #tpu.memory_space<semaphore_mem>>)
      %dma_wait3A_11 = arith.constant 0 : i32
      %dma_wait3A_12 = tpu.memref_slice %arg2[%mul3A_2, %dma_wait3A_11] : memref<4096x768xf32, #tpu.memory_space<hbm>> -> memref<128x768xf32, #tpu.memory_space<hbm>>
      %dma_wait3A_13 = arith.constant 0 : i32
      %dma_wait3A_14 = tpu.memref_slice %arg2[%mul3A_2, %dma_wait3A_13] : memref<4096x768xf32, #tpu.memory_space<hbm>> -> memref<128x768xf32, #tpu.memory_space<hbm>>
      tpu.wait_dma2 semaphore(%run_scoped3A : memref<!tpu.dma_semaphore, #tpu.memory_space<semaphore_mem>>) src(%dma_wait3A_14 : memref<128x768xf32, #tpu.memory_space<hbm>>) dst(%arg6 : memref<128x768xf32, #tpu.memory_space<vmem>>)
      tpu.yield
    }) : () -> ()
    %dma_start3A = arith.constant 0 : i32
    %dma_start3A_3 = arith.constant 0 : i32
    %dma_start3A_4 = tpu.memref_slice %arg4[%dma_start3A, %dma_start3A_3] : memref<5184x768xf32, #tpu.memory_space<hbm>> -> memref<5184x768xf32, #tpu.memory_space<hbm>>
    tpu.enqueue_indirect_dma source(%arg6 : memref<128x768xf32, #tpu.memory_space<vmem>>) target(%dma_start3A_4 : memref<5184x768xf32, #tpu.memory_space<hbm>>) offsets(%arg5 : memref<128xi32, #tpu.memory_space<vmem>>) semaphore(%arg7 : memref<!tpu.dma_semaphore, #tpu.memory_space<semaphore_mem>>)
    %dma_wait3A = arith.constant 0 : i32
    %dma_wait3A_5 = arith.constant 0 : i32
    %dma_wait3A_6 = tpu.memref_slice %arg4[%dma_wait3A, %dma_wait3A_5] : memref<5184x768xf32, #tpu.memory_space<hbm>> -> memref<5184x768xf32, #tpu.memory_space<hbm>>
    tpu.wait_indirect_dma semaphore(%arg7 : memref<!tpu.dma_semaphore, #tpu.memory_space<semaphore_mem>>) src(%arg6 : memref<128x768xf32, #tpu.memory_space<vmem>>) dst(%dma_wait3A_6 : memref<5184x768xf32, #tpu.memory_space<hbm>>)
    return
  }
}

</mosaic_0001>

<sc_bundles>
// kernel: _sc_dispatch.3.cloned.1.call-start
scs
__scs_entry_jumppad:
0x0: {  	(pc) =	sbr.rel $0x88, $3  }
0x1: {  	(tag) =	ssettag $0x0;
	lr =	simm.s32 $0x1  }
0x2: {  	[smem:$0x3F9F] =	sst lr;
	_ =	strace $0xD0000000  }
0x3: {  	_ = 	snop  }
0x4: {  	_ = 	snop  }
0x5: {  	_ = 	snop  }
0x6: {  	_ = 	snop  }
0x7: {  	_ = 	snop  }
__scs_overlays_trampoline_lowered:
0x8: {  	[smem:$0x3FAE] =	sst s0  }
0x9: {  	[smem:$0x3FAF] =	sst s1  }
0xa: {  	[smem:$0x3FB0] =	sst s2  }
0xb: {  	[smem:$0x3FB1] =	sst s3  }
0xc: {  	[smem:$0x3FB2] =	sst s4  }
0xd: {  	[smem:$0x3FB3] =	sst s5  }
0xe: {  	[smem:$0x3FB4] =	sst s6  }
0xf: {  	[smem:$0x3FB5] =	sst s7  }
0x10: {  	[smem:$0x3FB6] =	sst s8  }
0x11: {  	[smem:$0x3FB7] =	sst s9;
	s0 =	simm.s32 @!p0 $0x0  }
0x12: {  	s1 =	sld [smem:$0x3F9D];
	s0 =	simm.s32 @p0 $0x1  }
0x13: {  	[smem:$0x3FB8] =	sst s0;
	s0 =	simm.s32 @!p1 $0x0  }
0x14: {  	s2 =	sld [smem:$0x3F9C];
	s0 =	simm.s32 @p1 $0x1  }
0x15: {  	[smem:$0x3FB9] =	sst s0;
	s0 =	simm.s32 @!p2 $0x0  }
0x16: {  	s3 =	sld [smem:$0x3FDB];
	s0 =	simm.s32 @p2 $0x1  }
0x17: {  	s4 =	simm.s32 $0x1BF5;
	[smem:$0x3FBB] =	sst s0  }
0x18: {  	s0 =	sld [smem:$0x3F9E];
	_ =	swait.ge [sflag:s4], $0x0  }
0x19: {  	s7 =	sld [smem:$0x3F9F]  }
0x1a: {  	s8 =	sadd.s32 $0xFFFFE003, lr  }
0x1b: {  	s9 =	sadd.s32 $0xFFFFFEF7, lr;
	s5 =	simm.s32 $0xFFFFFFFF;
	p2 =	slt.u32 s8, $0xFFFFF086  }
0x1c: {  	p1 =	slt.u32 s9, $0xF7A;
	s5 =	simm.s32 @!p2 $0x0  }
0x1d: {  	s5 =	simm.s32 @p1 $0x1;
	p0 =	seq.s32 s7, s2  }
0x1e: {  	s7 =	smul.u32 @!p0 $0xF7A, s2;
	p2 =	seq.s32 @!p0 s5, $0x0  }
0x1f: {  	s9 =	smul.u32 $0xF7A, s1;
	s8 =	simm.s32 @!p0 $0x1BF5;
	p2 =	por !p2, p0  }
0x20: {  	[sflag:s8] =	ssyncset.s32 @!p0 $0xFFFFF086;
	s6 =	sadd.s32 @!p0 s3, s7;
	s7 =	simm.s32 @!p0 $0x108  }
0x21: {  	s3 =	sadd.s32 s3, s9;
	s6 =	sadd.s32 @!p0 $0x88, s6;
	s7 =	simm.s32 @p2 $0x1082  }
0x22: {  	[simem:s7], [sflag:s8] =	dma.local @!p0 [hbm:s6], $0xF7A  }
0x23: {  	s9 =	sor.u32 $0xD0000000, s2;
	s6 =	simm.s32 $0x108;
	_ =	swait.ge @!p0 [sflag:s8], $0x0  }
0x24: {  	s3 =	sadd.s32 $0x88, s3;
	s6 =	simm.s32 @!p1 $0x1082;
	[sflag:s4] =	ssyncset.s32 $0xFFFFF086  }
0x25: {  	[simem:s6], [sflag:s4] =	dma.local [hbm:s3], $0xF7A  }
0x26: {  	[smem:$0x3F9F] =	sst s1;
	(tag) =	ssettag s2;
	_ =	strace s9  }
0x27: {  	s1 =	sld [smem:$0x3FAF]  }
0x28: {  	s2 =	sld [smem:$0x3FB0]  }
0x29: {  	s4 =	sld [smem:$0x3FB2]  }
0x2a: {  	p0 =	seq.s32 s5, $0x0;
	s5 =	sld [smem:$0x3FB3]  }
0x2b: {  	s6 =	sld [smem:$0x3FB4]  }
0x2c: {  	s7 =	sld [smem:$0x3FB5]  }
0x2d: {  	s3 =	simm.s32 $0x108;
	s8 =	sld [smem:$0x3FB6]  }
0x2e: {  	s3 =	simm.s32 @!p0 $0x1082;
	s9 =	sld [smem:$0x3FB7]  }
0x2f: {  	lr =	sadd.s32 s0, s3;
	s0 =	sld [smem:$0x3FAE]  }
0x30: {  	s3 =	sld [smem:$0x3FB1]  }
0x31: {  	[smem:$0x3FBA] =	sst s10  }
0x32: {  	s10 =	sld [smem:$0x3FB8];
	_ =	sdelay $0x3  }
0x33: {  	p0 =	seq.s32 s10, $0x1;
	s10 =	sld [smem:$0x3FBA];
	_ =	sdelay $0x3  }
0x34: {  	[smem:$0x3FBA] =	sst s10  }
0x35: {  	s10 =	sld [smem:$0x3FB9];
	_ =	sdelay $0x3  }
0x36: {  	p1 =	seq.s32 s10, $0x1;
	s10 =	sld [smem:$0x3FBA];
	_ =	sdelay $0x3  }
0x37: {  	[smem:$0x3FBA] =	sst s10  }
0x38: {  	s10 =	sld [smem:$0x3FBB]  }
0x39: {  	_ = 	snop;
	(pc) =	sbr.ind lr, $3  }
0x3a: {  	_ = 	snop  }
0x3b: {  	_ = 	snop  }
0x3c: {  	p2 =	seq.s32 s10, $0x1;
	s10 =	sld [smem:$0x3FBA]  }
0x3d: {  	_ =	shalt  }
0x3e: {  	_ =	shalt  }
0x3f: {  	_ =	shalt  }
0x40: {  	_ =	shalt  }
0x41: {  	_ =	shalt  }
0x42: {  	_ =	shalt  }
0x43: {  	_ =	shalt  }
0x44: {  	_ =	shalt  }
0x45: {  	_ =	shalt  }
0x46: {  	_ =	shalt  }
0x47: {  	_ =	shalt  }
0x48: {  	_ =	shalt  }
0x49: {  	_ =	shalt  }
0x4a: {  	_ =	shalt  }
0x4b: {  	_ =	shalt  }
0x4c: {  	_ =	shalt  }
0x4d: {  	_ =	shalt  }
0x4e: {  	_ =	shalt  }
0x4f: {  	_ =	shalt  }
0x50: {  	_ =	shalt  }
0x51: {  	_ =	shalt  }
0x52: {  	_ =	shalt  }
0x53: {  	_ =	shalt  }
0x54: {  	_ =	shalt  }
0x55: {  	_ =	shalt  }
0x56: {  	_ =	shalt  }
0x57: {  	_ =	shalt  }
0x58: {  	_ =	shalt  }
0x59: {  	_ =	shalt  }
0x5a: {  	_ =	shalt  }
0x5b: {  	_ =	shalt  }
0x5c: {  	_ =	shalt  }
0x5d: {  	_ =	shalt  }
0x5e: {  	_ =	shalt  }
0x5f: {  	_ =	shalt  }
0x60: {  	_ =	shalt  }
0x61: {  	_ =	shalt  }
0x62: {  	_ =	shalt  }
0x63: {  	_ =	shalt  }
0x64: {  	_ =	shalt  }
0x65: {  	_ =	shalt  }
0x66: {  	_ =	shalt  }
0x67: {  	_ =	shalt  }
0x68: {  	_ =	shalt  }
0x69: {  	_ =	shalt  }
0x6a: {  	_ =	shalt  }
0x6b: {  	_ =	shalt  }
0x6c: {  	_ =	shalt  }
0x6d: {  	_ =	shalt  }
0x6e: {  	_ =	shalt  }
0x6f: {  	_ =	shalt  }
0x70: {  	_ =	shalt  }
0x71: {  	_ =	shalt  }
0x72: {  	_ =	shalt  }
0x73: {  	_ =	shalt  }
0x74: {  	_ =	shalt  }
0x75: {  	_ =	shalt  }
0x76: {  	_ =	shalt  }
0x77: {  	_ =	shalt  }
0x78: {  	_ =	shalt  }
0x79: {  	_ =	shalt  }
0x7a: {  	_ =	shalt  }
0x7b: {  	_ =	shalt  }
0x7c: {  	_ =	shalt  }
0x7d: {  	_ =	shalt  }
0x7e: {  	_ =	shalt  }
0x7f: {  	_ =	shalt  }
0x80: {  	_ =	shalt  }
0x81: {  	_ =	shalt  }
0x82: {  	_ =	shalt  }
0x83: {  	_ =	shalt  }
0x84: {  	_ =	shalt  }
0x85: {  	_ =	shalt  }
0x86: {  	_ =	shalt  }
0x87: {  	_ =	shalt  }
.Lfunc_end0:
.L_simem_size_0:
called_computation_lowered:
.L_overlay_start_0:
0x88: {  	s2 =	sld [smem:$0x3FD9]  }
0x89: {  	s3 =	sld [smem:$0x3FFE];
	_ =	sdelay $0x1  }
0x8a: {  	s1 =	srdreg.scid  }
0x8b: {  	s0 =	sand.u32 $0x1, s1  }
0x8c: {  	s18 =	sshll.u32 s0, $0xA;
	s2 =	sadd.s32 s3, s2  }
0x8d: {  	s2 =	sadd.s32 s2, s18  }
0x8e: {  	[smem:$0x3FC6] =	sst s2  }
0x8f: {  	_ = 	snop  }
0x90: {  	s2 =	sld [smem:$0x3FC9]  }
0x91: {  	s19 =	sld [smem:$0x3FC8]  }
0x92: {  	s4 =	sld [smem:$0x3FD0];
	(tm) =	ssettm $0x1  }
0x93: {  	s5 =	sld [smem:$0x3FFB];
	_ =	sdelay $0x3  }
0x94: {  	_ =	strace s5  }
0x95: {  	s5 =	sld [smem:$0x3FFC];
	_ =	sdelay $0x3  }
0x96: {  	_ =	strace s5  }
0x97: {  	s5 =	sld [smem:$0x3FFD];
	_ =	sdelay $0x3  }
0x98: {  	_ =	strace s5  }
0x99: {  	_ =	strace $0x8FFFFFFF  }
0x9a: {  	s20 =	sld [smem:$0x3FDB];
	_ =	sdelay $0x1  }
0x9b: {  	s6 =	simm.s32 $_scs_section_size  }
0x9c: {  	s7 =	simm.s32 $_size__tile_overlayer_lowered;
	s8 =	simm.s32 $_tile_overlayer_lowered  }
0x9d: {  	s23 =	simm.s32 $0x1BFF;
	s22 =	sshll.u32 s8, $0x1;
	s5 =	sadd.s32 s6, s20  }
0x9e: {  	s9 =	simm.s32 $0x0;
	s21 =	sshll.u32 s7, $0x1;
	s7 =	sadd.s32 s22, s5  }
0x9f: {  	[timem:s9], [sflag:s23] =	dma.local [hbm:s7], s21  }
0xa0: {  	_ =	swait.ge [sflag:s23], s21  }
0xa1: {  	s6 =	ssub.s32 $0x0, s21;
	[sflag:s23] =	ssyncset.done $0x0  }
0xa2: {  	[sflag:s23] =	ssyncadd.s32 s6;
	_ =	sdelay $0x1  }
0xa3: {  	s24 =	simm.s32 $0x1B8B  }
0xa4: {  	_ =	swait.ge [sflag:s24], $0x1  }
0xa5: {  	[sflag:s24] =	ssyncset.done $0x0  }
0xa6: {  	s25 =	simm.s32 $0x1B8E;
	[sflag:s24] =	ssyncadd.s32 $0xFFFFFFFF  }
0xa7: {  	s26 =	simm.s32 $execute0_lowered;
	[smem:$0x3FD2] =	sst s25  }
0xa8: {  	s6 =	sshll.u32 s26, $0x1;
	_ =	strace $0x80000046;
	[dreg:$0x1] =	wrdreg $0xFFFFFFFF  }
0xa9: {  	s28 =	simm.s32 $_size_execute0_lowered;
	s5 =	sadd.s32 s5, s6;
	[dreg:$0x0] =	wrdreg $0x0  }
0xaa: {  	s6 =	sshll.u32 s28, $0x1;
	[dreg:$0x2] =	wrdreg s5  }
0xab: {  	[dreg:$0x3] =	wrdreg s6  }
0xac: {  	[dreg:$0x4] =	wrdreg $0xC0  }
0xad: {  	_ =	task [dreg:s9], $0x5FFFF  }
0xae: {  	[dreg:$0x1] =	wrdreg $0xFFFFFFFF  }
0xaf: {  	[dreg:$0x0] =	wrdreg $0x60  }
0xb0: {  	[dreg:$0x2] =	wrdreg s2  }
0xb1: {  	[dreg:$0x3] =	wrdreg s19  }
0xb2: {  	[dreg:$0x4] =	wrdreg s4  }
0xb3: {  	[dreg:$0x5] =	wrdreg $0x9  }
0xb4: {  	_ =	task.clear_ibuf [dreg:s9], $0x6FFFF;
	_ =	strace $0x90000046  }
0xb5: {  	s29 =	simm.s32 $0x9;
	_ =	strace $0x80000048  }
0xb6: {  	_ =	swait.ge [sflag:s29], $0x1  }
0xb7: {  	[sflag:s29] =	ssyncadd.s32 $0xFFFFFFFF  }
0xb8: {  	_ =	strace $0x90000048  }
0xb9: {  	_ =	sfence  }
0xba: {  	s30 =	sld [smem:$0x0];
	_ =	sdelay $0x2  }
0xbb: {  	s31 =	sshll.u32 s1, $0xD;
	s1 =	sshrl.u32 s1, $0x2  }
0xbc: {  	s3 =	sand.u32 $0x4000, s31;
	s1 =	sadd.s32 s1, s30  }
0xbd: {  	s0 =	sor.u32 s3, s0;
	s1 =	sshll.u32 s1, $0x11  }
0xbe: {  	s0 =	sor.u32 s1, s0  }
0xbf: {  	s0 =	sadd.s32 $0x8F2B, s0  }
0xc0: {  	[sflag:s0] =	ssyncadd.remote.s32 $0x1  }
0xc1: {  	_ =	sfence.sel $0xFFFF  }
0xc2: {  	[dreg:$0x0] =	wrdreg $0xFFFFFFFF;
	(pc) =	sbr.abs _section_cstart, $3  }
0xc3: {  	[dreg:$0x1] =	wrdreg $0xFFFFFFFF  }
0xc4: {  	_ =	task.clear_ibuf [dreg:s9], $0x2FFFF;
	_ =	strace $0x9FFFFFFF  }
0xc5: {  	(tm) =	ssettm $0x7FFFFFFF  }
tec
execute0_lowered:
.L_overlay_start_1:
0x0: {  	(tag) =	ssettag $0x1  }
0x1: {  	s1 =	rddreg [dreg:$0x0]  }
0x2: {  	s2 =	srdreg.scid;
	s4 =	rddreg [dreg:$0x1]  }
0x3: {  	s3 =	simm.s32 $0x0;
	s5 =	sand.u32 $0x1, s2;
	s2 =	rddreg [dreg:$0x2]  }
0x4: {  	s23 =	simm.s32 $0x880;
	[smem:$0x7FF] =	sst s3  }
0x5: {  	s24 =	simm.s32 $0x1080;
	_ =	strace $0x80000047;
	[dreg:$0x6] =	wrdreg s23  }
0x6: {  	s25 =	simm.s32 $0x1880;
	[dreg:$0x7] =	wrdreg s24  }
0x7: {  	s0 =	stileid.u32;
	s26 =	simm.s32 $0x2080;
	[dreg:$0x8] =	wrdreg s25  }
0x8: {  	s6 =	sshll.u32 s0, $0x5;
	s0 =	simm.s32 $0x2880;
	[dreg:$0x9] =	wrdreg s26  }
0x9: {  	s8 =	simm.s32 $0x4880;
	[dreg:$0xa] =	wrdreg s0  }
0xa: {  	s9 =	simm.s32 $0x5080;
	[dreg:$0xe] =	wrdreg s8  }
0xb: {  	s10 =	simm.s32 $0x5880;
	[dreg:$0xf] =	wrdreg s9  }
0xc: {  	s11 =	simm.s32 $0x6080;
	[dreg:$0x10] =	wrdreg s10  }
0xd: {  	s12 =	simm.s32 $0x6880;
	[dreg:$0x11] =	wrdreg s11  }
0xe: {  	s13 =	simm.s32 $0x7080;
	[dreg:$0x12] =	wrdreg s12  }
0xf: {  	s14 =	simm.s32 $0x7880;
	[dreg:$0x13] =	wrdreg s13  }
0x10: {  	s15 =	simm.s32 $0x8080;
	[dreg:$0x14] =	wrdreg s14  }
0x11: {  	s16 =	simm.s32 $0x8880;
	[dreg:$0x15] =	wrdreg s15  }
0x12: {  	s18 =	simm.s32 $0x9080;
	s19 =	simm.s32 $0x9880;
	[dreg:$0x16] =	wrdreg s16  }
0x13: {  	s21 =	simm.s32 $0xA080;
	s22 =	simm.s32 $0xA880;
	[dreg:$0x17] =	wrdreg s18  }
0x14: {  	s28 =	simm.s32 $0x16080;
	s29 =	simm.s32 $0x16880;
	[dreg:$0x18] =	wrdreg s19  }
0x15: {  	s30 =	simm.s32 $0x17080;
	s31 =	simm.s32 $0x17880;
	[dreg:$0x19] =	wrdreg s21  }
0x16: {  	s7 =	sshll.u32 s5, $0x4;
	s17 =	ssub.s32 $0x2, s5;
	[dreg:$0x1a] =	wrdreg s22  }
0x17: {  	s23 =	simm.s32 $0xB080;
	s24 =	simm.s32 $0xB880;
	s25 =	simm.s32 $0xC080  }
0x18: {  	s8 =	simm.s32 $0x80;
	s26 =	simm.s32 $0xC880;
	s10 =	simm.s32 $0xD880  }
0x19: {  	s11 =	simm.s32 $0xE080;
	s12 =	simm.s32 $0xE880;
	s13 =	simm.s32 $0xF080  }
0x1a: {  	s14 =	simm.s32 $0xF880;
	s15 =	simm.s32 $0x10080;
	s16 =	simm.s32 $0x10880  }
0x1b: {  	s18 =	simm.s32 $0x11880;
	s19 =	simm.s32 $0x12080;
	[dreg:$0x1b] =	wrdreg s23  }
0x1c: {  	s21 =	simm.s32 $0x13080;
	s22 =	simm.s32 $0x13880;
	[dreg:$0x1c] =	wrdreg s24  }
0x1d: {  	s6 =	sor.u32 s7, s6;
	s5 =	sshrl.u32 s17, $0x1;
	[dreg:$0x1d] =	wrdreg s25  }
0x1e: {  	[dreg:$0x1e] =	wrdreg s26;
	s23 =	simm.s32 $0x14080;
	s24 =	simm.s32 $0x14880  }
0x1f: {  	s25 =	simm.s32 $0x15080;
	s26 =	simm.s32 $0x15880;
	s7 =	smul.u32 $0x300, s6  }
0x20: {  	s4 =	sadd.s32 s4, s6;
	s6 =	simm.s32 $0x3880;
	s20 =	ssub.s32 s17, s5  }
0x21: {  	s5 =	sadd.s32 $0x200, s2;
	s17 =	simm.s32 $0x11080;
	[dreg:$0x4] =	wrdreg s4  }
0x22: {  	s4 =	simm.s32 $0x3080;
	[dreg:$0xc] =	wrdreg s6;
	s6 =	smax.u32 s20, $0x1  }
0x23: {  	v2 =	vlaneseq.u32;
	s20 =	simm.s32 $0x12880;
	s1 =	sadd.s32 s1, s7;
	[dreg:$0xb] =	wrdreg s4  }
0x24: {  	vm0 =	vmmov $0xffff;
	v1 =	vshrl.u32 v2, $0x3;
	s7 =	simm.s32 $0x4080;
	s4 =	sadd.s32 $0x100, s2;
	[dreg:$0x5] =	wrdreg s1  }
0x25: {  	v0 =	vand.u32 $0x7, v2;
	v2 =	vor.u32 $0x8, v2;
	v1 =	vmul.u32 $0x8, v1;
	[dreg:$0xd] =	wrdreg s7;
	s7 =	simm.s32 $0x2;
	s1 =	simm.s32 $0x1  }
.LBB2_1:
0x26: {  	s0 =	rddreg [dreg:$0x4]  }
0x27: {  	[tilespmem:s3], [sflag:$0x2] =	stream.linear.gather [hbm4b:s0+s3], $0x80, $0x38;
	[tilespmem:$0x18080] =	vst v63  }
0x28: {  	_ =	swait.ge [sflag:s7], $0x80  }
0x29: {  	[sflag:s7] =	ssyncset.done $0x0  }
0x2a: {  	s9 =	rddreg [dreg:$0x5];
	[sflag:s7] =	ssyncadd.s32 $0xFFFFFF80  }
0x2b: {  	[tilespmem:s8], [sflag:$0x2] =	stream.linear.gather [hbm4b:s9+s3], $0x18000, $0x38;
	[tilespmem:$0x18080] =	vst v63  }
0x2c: {  	_ =	swait.ge [sflag:s7], $0x18000  }
0x2d: {  	[sflag:s7] =	ssyncset.done $0x0  }
0x2e: {  	[sflag:s7] =	ssyncadd.s32 $0xFFFE8000  }
0x2f: {  	v3 =	vld [tilespmem:$0x0];
	_ =	sdelay $0x4  }
0x30: {  	v4 =	vshrl.u32 v3, $0x3  }
0x31: {  	v4 =	vmul.u32 $0x30, v4  }
0x32: {  	v3 =	vand.u32 $0x7, v3  }
0x33: {  	v3 =	vor.u32 v3, v4  }
0x34: {  	v4 =	vperm.xlane v3, v0;
	_ =	sdelay $0x1  }
0x35: {  	v4 =	vadd.s32 v1, v4;
	_ =	sdelay $0x3  }
0x36: {  	v3 =	vperm.xlane v3, v2  }
0x37: {  	[hbm4b:s2+s3] =	stream.indirect_vreg.scatter [tilespmem:s8], [sflag:$0x1], $0x80, v4, vm0, $0xb8;
	[tilespmem:$0x18080] =	vst v63  }
0x38: {  	s0 =	rddreg [dreg:$0x6];
	v3 =	vadd.s32 v1, v3  }
0x39: {  	[hbm4b:s4+s3] =	stream.indirect_vreg.scatter [tilespmem:s0], [sflag:$0x1], $0x80, v4, vm0, $0xb8;
	[tilespmem:$0x18080] =	vst v63  }
0x3a: {  	s9 =	rddreg [dreg:$0x7]  }
0x3b: {  	[hbm4b:s5+s3] =	stream.indirect_vreg.scatter [tilespmem:s9], [sflag:$0x1], $0x80, v4, vm0, $0xb8;
	[tilespmem:$0x18080] =	vst v63  }
0x3c: {  	s0 =	rddreg [dreg:$0x8]  }
0x3d: {  	[hbm4b:s2+s3] =	stream.indirect_vreg.scatter [tilespmem:s0], [sflag:$0x1], $0x80, v3, vm0, $0xb8;
	[tilespmem:$0x18080] =	vst v63  }
0x3e: {  	s9 =	rddreg [dreg:$0x9]  }
0x3f: {  	[hbm4b:s4+s3] =	stream.indirect_vreg.scatter [tilespmem:s9], [sflag:$0x1], $0x80, v3, vm0, $0xb8;
	[tilespmem:$0x18080] =	vst v63  }
0x40: {  	s0 =	rddreg [dreg:$0xa]  }
0x41: {  	[hbm4b:s5+s3] =	stream.indirect_vreg.scatter [tilespmem:s0], [sflag:$0x1], $0x80, v3, vm0, $0xb8;
	[tilespmem:$0x18080] =	vst v63  }
0x42: {  	v3 =	vld [tilespmem:$0x10];
	_ =	sdelay $0x4  }
0x43: {  	v57 =	vshrl.u32 v3, $0x3  }
0x44: {  	v4 =	vmul.u32 $0x30, v57  }
0x45: {  	v3 =	vand.u32 $0x7, v3  }
0x46: {  	v3 =	vor.u32 v3, v4  }
0x47: {  	v4 =	vperm.xlane v3, v0;
	_ =	sdelay $0x1  }
0x48: {  	v4 =	vadd.s32 v1, v4;
	_ =	sdelay $0x3  }
0x49: {  	s0 =	rddreg [dreg:$0xb];
	v3 =	vperm.xlane v3, v2  }
0x4a: {  	[hbm4b:s2+s3] =	stream.indirect_vreg.scatter [tilespmem:s0], [sflag:$0x1], $0x80, v4, vm0, $0xb8;
	[tilespmem:$0x18080] =	vst v63  }
0x4b: {  	s9 =	rddreg [dreg:$0xc];
	v3 =	vadd.s32 v1, v3  }
0x4c: {  	[hbm4b:s4+s3] =	stream.indirect_vreg.scatter [tilespmem:s9], [sflag:$0x1], $0x80, v4, vm0, $0xb8;
	[tilespmem:$0x18080] =	vst v63  }
0x4d: {  	s0 =	rddreg [dreg:$0xd]  }
0x4e: {  	[hbm4b:s5+s3] =	stream.indirect_vreg.scatter [tilespmem:s0], [sflag:$0x1], $0x80, v4, vm0, $0xb8;
	[tilespmem:$0x18080] =	vst v63  }
0x4f: {  	s9 =	rddreg [dreg:$0xe]  }
0x50: {  	[hbm4b:s2+s3] =	stream.indirect_vreg.scatter [tilespmem:s9], [sflag:$0x1], $0x80, v3, vm0, $0xb8;
	[tilespmem:$0x18080] =	vst v63  }
0x51: {  	s0 =	rddreg [dreg:$0xf]  }
0x52: {  	[hbm4b:s4+s3] =	stream.indirect_vreg.scatter [tilespmem:s0], [sflag:$0x1], $0x80, v3, vm0, $0xb8;
	[tilespmem:$0x18080] =	vst v63  }
0x53: {  	s9 =	rddreg [dreg:$0x10]  }
0x54: {  	[hbm4b:s5+s3] =	stream.indirect_vreg.scatter [tilespmem:s9], [sflag:$0x1], $0x80, v3, vm0, $0xb8;
	[tilespmem:$0x18080] =	vst v63  }
0x55: {  	v3 =	vld [tilespmem:$0x20];
	_ =	sdelay $0x4  }
0x56: {  	v58 =	vshrl.u32 v3, $0x3  }
0x57: {  	v4 =	vmul.u32 $0x30, v58  }
0x58: {  	v3 =	vand.u32 $0x7, v3  }
0x59: {  	v3 =	vor.u32 v3, v4  }
0x5a: {  	v4 =	vperm.xlane v3, v0;
	_ =	sdelay $0x1  }
0x5b: {  	v4 =	vadd.s32 v1, v4;
	_ =	sdelay $0x3  }
0x5c: {  	s0 =	rddreg [dreg:$0x11];
	v3 =	vperm.xlane v3, v2  }
0x5d: {  	[hbm4b:s2+s3] =	stream.indirect_vreg.scatter [tilespmem:s0], [sflag:$0x1], $0x80, v4, vm0, $0xb8;
	[tilespmem:$0x18080] =	vst v63  }
0x5e: {  	s9 =	rddreg [dreg:$0x12];
	v3 =	vadd.s32 v1, v3  }
0x5f: {  	[hbm4b:s4+s3] =	stream.indirect_vreg.scatter [tilespmem:s9], [sflag:$0x1], $0x80, v4, vm0, $0xb8;
	[tilespmem:$0x18080] =	vst v63  }
0x60: {  	s0 =	rddreg [dreg:$0x13]  }
0x61: {  	[hbm4b:s5+s3] =	stream.indirect_vreg.scatter [tilespmem:s0], [sflag:$0x1], $0x80, v4, vm0, $0xb8;
	[tilespmem:$0x18080] =	vst v63  }
0x62: {  	s9 =	rddreg [dreg:$0x14]  }
0x63: {  	[hbm4b:s2+s3] =	stream.indirect_vreg.scatter [tilespmem:s9], [sflag:$0x1], $0x80, v3, vm0, $0xb8;
	[tilespmem:$0x18080] =	vst v63  }
0x64: {  	s0 =	rddreg [dreg:$0x15]  }
0x65: {  	[hbm4b:s4+s3] =	stream.indirect_vreg.scatter [tilespmem:s0], [sflag:$0x1], $0x80, v3, vm0, $0xb8;
	[tilespmem:$0x18080] =	vst v63  }
0x66: {  	s9 =	rddreg [dreg:$0x16]  }
0x67: {  	[hbm4b:s5+s3] =	stream.indirect_vreg.scatter [tilespmem:s9], [sflag:$0x1], $0x80, v3, vm0, $0xb8;
	[tilespmem:$0x18080] =	vst v63  }
0x68: {  	v3 =	vld [tilespmem:$0x30];
	_ =	sdelay $0x4  }
0x69: {  	v59 =	vshrl.u32 v3, $0x3  }
0x6a: {  	v4 =	vmul.u32 $0x30, v59  }
0x6b: {  	v3 =	vand.u32 $0x7, v3  }
0x6c: {  	v3 =	vor.u32 v3, v4  }
0x6d: {  	v4 =	vperm.xlane v3, v0;
	_ =	sdelay $0x1  }
0x6e: {  	v4 =	vadd.s32 v1, v4;
	_ =	sdelay $0x3  }
0x6f: {  	s0 =	rddreg [dreg:$0x17];
	v3 =	vperm.xlane v3, v2  }
0x70: {  	[hbm4b:s2+s3] =	stream.indirect_vreg.scatter [tilespmem:s0], [sflag:$0x1], $0x80, v4, vm0, $0xb8;
	[tilespmem:$0x18080] =	vst v63  }
0x71: {  	s9 =	rddreg [dreg:$0x18];
	v3 =	vadd.s32 v1, v3  }
0x72: {  	[hbm4b:s4+s3] =	stream.indirect_vreg.scatter [tilespmem:s9], [sflag:$0x1], $0x80, v4, vm0, $0xb8;
	[tilespmem:$0x18080] =	vst v63  }
0x73: {  	s0 =	rddreg [dreg:$0x19]  }
0x74: {  	[hbm4b:s5+s3] =	stream.indirect_vreg.scatter [tilespmem:s0], [sflag:$0x1], $0x80, v4, vm0, $0xb8;
	[tilespmem:$0x18080] =	vst v63  }
0x75: {  	s9 =	rddreg [dreg:$0x1a]  }
0x76: {  	[hbm4b:s2+s3] =	stream.indirect_vreg.scatter [tilespmem:s9], [sflag:$0x1], $0x80, v3, vm0, $0xb8;
	[tilespmem:$0x18080] =	vst v63  }
0x77: {  	s0 =	rddreg [dreg:$0x1b]  }
0x78: {  	[hbm4b:s4+s3] =	stream.indirect_vreg.scatter [tilespmem:s0], [sflag:$0x1], $0x80, v3, vm0, $0xb8;
	[tilespmem:$0x18080] =	vst v63  }
0x79: {  	s9 =	rddreg [dreg:$0x1c]  }
0x7a: {  	[hbm4b:s5+s3] =	stream.indirect_vreg.scatter [tilespmem:s9], [sflag:$0x1], $0x80, v3, vm0, $0xb8;
	[tilespmem:$0x18080] =	vst v63  }
0x7b: {  	v3 =	vld [tilespmem:$0x40];
	_ =	sdelay $0x4  }
0x7c: {  	v60 =	vshrl.u32 v3, $0x3  }
0x7d: {  	v4 =	vmul.u32 $0x30, v60  }
0x7e: {  	v3 =	vand.u32 $0x7, v3  }
0x7f: {  	v3 =	vor.u32 v3, v4  }
0x80: {  	v4 =	vperm.xlane v3, v0;
	_ =	sdelay $0x1  }
0x81: {  	v4 =	vadd.s32 v1, v4;
	_ =	sdelay $0x3  }
0x82: {  	s0 =	rddreg [dreg:$0x1d];
	v3 =	vperm.xlane v3, v2  }
0x83: {  	[hbm4b:s2+s3] =	stream.indirect_vreg.scatter [tilespmem:s0], [sflag:$0x1], $0x80, v4, vm0, $0xb8;
	[tilespmem:$0x18080] =	vst v63  }
0x84: {  	s9 =	rddreg [dreg:$0x1e];
	v3 =	vadd.s32 v1, v3  }
0x85: {  	[hbm4b:s4+s3] =	stream.indirect_vreg.scatter [tilespmem:s9], [sflag:$0x1], $0x80, v4, vm0, $0xb8;
	[tilespmem:$0x18080] =	vst v63  }
0x86: {  	s9 =	simm.s32 $0xD080  }
0x87: {  	[hbm4b:s5+s3] =	stream.indirect_vreg.scatter [tilespmem:s9], [sflag:$0x1], $0x80, v4, vm0, $0xb8;
	[tilespmem:$0x18080] =	vst v63  }
0x88: {  	_ = 	snop  }
0x89: {  	[hbm4b:s2+s3] =	stream.indirect_vreg.scatter [tilespmem:s10], [sflag:$0x1], $0x80, v3, vm0, $0xb8;
	[tilespmem:$0x18080] =	vst v63  }
0x8a: {  	_ = 	snop  }
0x8b: {  	[hbm4b:s4+s3] =	stream.indirect_vreg.scatter [tilespmem:s11], [sflag:$0x1], $0x80, v3, vm0, $0xb8;
	[tilespmem:$0x18080] =	vst v63  }
0x8c: {  	_ = 	snop  }
0x8d: {  	[hbm4b:s5+s3] =	stream.indirect_vreg.scatter [tilespmem:s12], [sflag:$0x1], $0x80, v3, vm0, $0xb8;
	[tilespmem:$0x18080] =	vst v63  }
0x8e: {  	v3 =	vld [tilespmem:$0x50];
	_ =	sdelay $0x4  }
0x8f: {  	v61 =	vshrl.u32 v3, $0x3  }
0x90: {  	v4 =	vmul.u32 $0x30, v61  }
0x91: {  	v3 =	vand.u32 $0x7, v3  }
0x92: {  	v3 =	vor.u32 v3, v4  }
0x93: {  	v4 =	vperm.xlane v3, v0;
	_ =	sdelay $0x1  }
0x94: {  	v4 =	vadd.s32 v1, v4;
	_ =	sdelay $0x3  }
0x95: {  	v3 =	vperm.xlane v3, v2  }
0x96: {  	[hbm4b:s2+s3] =	stream.indirect_vreg.scatter [tilespmem:s13], [sflag:$0x1], $0x80, v4, vm0, $0xb8;
	[tilespmem:$0x18080] =	vst v63  }
0x97: {  	v3 =	vadd.s32 v1, v3  }
0x98: {  	[hbm4b:s4+s3] =	stream.indirect_vreg.scatter [tilespmem:s14], [sflag:$0x1], $0x80, v4, vm0, $0xb8;
	[tilespmem:$0x18080] =	vst v63  }
0x99: {  	_ = 	snop  }
0x9a: {  	[hbm4b:s5+s3] =	stream.indirect_vreg.scatter [tilespmem:s15], [sflag:$0x1], $0x80, v4, vm0, $0xb8;
	[tilespmem:$0x18080] =	vst v63  }
0x9b: {  	_ = 	snop  }
0x9c: {  	[hbm4b:s2+s3] =	stream.indirect_vreg.scatter [tilespmem:s16], [sflag:$0x1], $0x80, v3, vm0, $0xb8;
	[tilespmem:$0x18080] =	vst v63  }
0x9d: {  	_ = 	snop  }
0x9e: {  	[hbm4b:s4+s3] =	stream.indirect_vreg.scatter [tilespmem:s17], [sflag:$0x1], $0x80, v3, vm0, $0xb8;
	[tilespmem:$0x18080] =	vst v63  }
0x9f: {  	_ = 	snop  }
0xa0: {  	[hbm4b:s5+s3] =	stream.indirect_vreg.scatter [tilespmem:s18], [sflag:$0x1], $0x80, v3, vm0, $0xb8;
	[tilespmem:$0x18080] =	vst v63  }
0xa1: {  	v3 =	vld [tilespmem:$0x60];
	_ =	sdelay $0x4  }
0xa2: {  	v62 =	vshrl.u32 v3, $0x3  }
0xa3: {  	v4 =	vmul.u32 $0x30, v62  }
0xa4: {  	v3 =	vand.u32 $0x7, v3  }
0xa5: {  	v3 =	vor.u32 v3, v4  }
0xa6: {  	v4 =	vperm.xlane v3, v0;
	_ =	sdelay $0x1  }
0xa7: {  	v4 =	vadd.s32 v1, v4;
	_ =	sdelay $0x3  }
0xa8: {  	v3 =	vperm.xlane v3, v2  }
0xa9: {  	[hbm4b:s2+s3] =	stream.indirect_vreg.scatter [tilespmem:s19], [sflag:$0x1], $0x80, v4, vm0, $0xb8;
	[tilespmem:$0x18080] =	vst v63  }
0xaa: {  	v3 =	vadd.s32 v1, v3  }
0xab: {  	[hbm4b:s4+s3] =	stream.indirect_vreg.scatter [tilespmem:s20], [sflag:$0x1], $0x80, v4, vm0, $0xb8;
	[tilespmem:$0x18080] =	vst v63  }
0xac: {  	_ = 	snop  }
0xad: {  	[hbm4b:s5+s3] =	stream.indirect_vreg.scatter [tilespmem:s21], [sflag:$0x1], $0x80, v4, vm0, $0xb8;
	[tilespmem:$0x18080] =	vst v63  }
0xae: {  	_ = 	snop  }
0xaf: {  	[hbm4b:s2+s3] =	stream.indirect_vreg.scatter [tilespmem:s22], [sflag:$0x1], $0x80, v3, vm0, $0xb8;
	[tilespmem:$0x18080] =	vst v63  }
0xb0: {  	_ = 	snop  }
0xb1: {  	[hbm4b:s4+s3] =	stream.indirect_vreg.scatter [tilespmem:s23], [sflag:$0x1], $0x80, v3, vm0, $0xb8;
	[tilespmem:$0x18080] =	vst v63  }
0xb2: {  	_ = 	snop  }
0xb3: {  	[hbm4b:s5+s3] =	stream.indirect_vreg.scatter [tilespmem:s24], [sflag:$0x1], $0x80, v3, vm0, $0xb8;
	[tilespmem:$0x18080] =	vst v63  }
0xb4: {  	v3 =	vld [tilespmem:$0x70];
	_ =	sdelay $0x4  }
0xb5: {  	v63 =	vshrl.u32 v3, $0x3  }
0xb6: {  	v4 =	vmul.u32 $0x30, v63  }
0xb7: {  	v3 =	vand.u32 $0x7, v3  }
0xb8: {  	v3 =	vor.u32 v3, v4  }
0xb9: {  	v4 =	vperm.xlane v3, v0;
	_ =	sdelay $0x1  }
0xba: {  	v4 =	vadd.s32 v1, v4;
	_ =	sdelay $0x3  }
0xbb: {  	v3 =	vperm.xlane v3, v2  }
0xbc: {  	[hbm4b:s2+s3] =	stream.indirect_vreg.scatter [tilespmem:s25], [sflag:$0x1], $0x80, v4, vm0, $0xb8;
	[tilespmem:$0x18080] =	vst v63  }
0xbd: {  	v3 =	vadd.s32 v1, v3  }
0xbe: {  	[hbm4b:s4+s3] =	stream.indirect_vreg.scatter [tilespmem:s26], [sflag:$0x1], $0x80, v4, vm0, $0xb8;
	[tilespmem:$0x18080] =	vst v63  }
0xbf: {  	_ = 	snop  }
0xc0: {  	[hbm4b:s5+s3] =	stream.indirect_vreg.scatter [tilespmem:s28], [sflag:$0x1], $0x80, v4, vm0, $0xb8;
	[tilespmem:$0x18080] =	vst v63  }
0xc1: {  	_ = 	snop  }
0xc2: {  	[hbm4b:s2+s3] =	stream.indirect_vreg.scatter [tilespmem:s29], [sflag:$0x1], $0x80, v3, vm0, $0xb8;
	[tilespmem:$0x18080] =	vst v63  }
0xc3: {  	p0 =	sne.s32 s6, $0x1  }
0xc4: {  	[hbm4b:s4+s3] =	stream.indirect_vreg.scatter [tilespmem:s30], [sflag:$0x1], $0x80, v3, vm0, $0xb8;
	[tilespmem:$0x18080] =	vst v63  }
.Ltmp0:
0xc5: {  	_ = 	snop;
	(pc) =	sbr.rel @p0 .LBB2_1-.Ltmp0, $4  }
0xc6: {  	[hbm4b:s5+s3] =	stream.indirect_vreg.scatter [tilespmem:s31], [sflag:$0x1], $0x80, v3, vm0, $0xb8;
	[tilespmem:$0x18080] =	vst v63  }
0xc7: {  	_ =	swait.ge [sflag:s1], $0x18000  }
0xc8: {  	[sflag:s1] =	ssyncset.done $0x0  }
0xc9: {  	s6 =	sadd.s32 $0xFFFFFFFF, s6;
	[sflag:s1] =	ssyncadd.s32 $0xFFFE8000  }
0xca: {  	_ =	sfence.sel $0x180000  }
0xcb: {  	[bflag:$0x0] =	sbarrier.arrive $0xFFFF  }
0xcc: {  	_ =	strace $0x90000047  }
0xcd: {  	s0 =	stileid.u32;
	[bflag:$0x2] =	sbarrier.arrive $0xFFFF  }
0xce: {  	p0 =	sne.s32 s0, $0x0;
	s0 =	rddreg [dreg:$0x3]  }
0xcf: {  	s0 =	sadd.s32 @!p0 $0x100000, s0  }
0xd0: {  	[sflag:s0] =	ssyncadd.tile.s32 @!p0 $0x1;
	_ =	shalt  }
.Lfunc_end2:
_tile_overlayer_lowered:
.L_overlay_start_2:
0xd1: {  	(tag) =	ssettag $0x2  }
0xd2: {  	s0 =	rddreg [dreg:$0x0];
	s2 =	stileid.u32  }
0xd3: {  	s1 =	rddreg [dreg:$0x1];
	p0 =	sne.s32 s2, $0x0  }
0xd4: {  	s3 =	rddreg [dreg:$0x2];
	[bflag:$0x3] =	sbarrier.arrive $0xFFFF;
	s2 =	simm.s32 @!p0 $0x1C02  }
0xd5: {  	[timem:s3], [sflag:s2] =	dma.local @!p0 [hbm:s0], s1  }
0xd6: {  	s0 =	simm.s32 @!p0 $0x2  }
0xd7: {  	_ =	swait.ge @!p0 [sflag:s0], s1  }
0xd8: {  	s1 =	ssub.s32 @!p0 $0x0, s1;
	[sflag:s0] =	ssyncset.done @!p0 $0x0  }
0xd9: {  	[sflag:s0] =	ssyncadd.s32 @!p0 s1  }
0xda: {  	[bflag:$0x3] =	sbarrier.arrive $0xFFFF  }
0xdb: {  	_ =	shalt  }

</sc_bundles>
